<compile_context>
chip_gen: v7x
topology: tpu7x:2x2x1
jax: 0.10.2.dev20260603
libtpu: 0.0.44.dev20260713+nightly
codegen_flags: <defaults>
</compile_context>

<pallas_src>
import functools

import jax
import jax.numpy as jnp
from jax import lax
from jax.experimental import pallas as pl
from jax.experimental.pallas import tpu as pltpu
from jax.experimental.pallas import tpu_sc as plsc

N = 10000
D = 128
E = 320000
NC, NS = 2, 16
NW = NC * NS
CHUNK = 128
EPW = 10112
NCH = EPW // CHUNK
EPAD = EPW * NW
RPT = 632
NPAD = RPT * NS


def _sc_agg_kernel(x_hbm, src_hbm, dst_hbm, zeros_hbm, out_hbm,
                   src_v, dst_v, rows_v, agg_sh, sem):
    c = lax.axis_index("c")
    s = lax.axis_index("s")
    wid = c * NS + s
    pltpu.sync_copy(zeros_hbm.at[pl.ds(s * RPT, RPT)],
                    agg_sh.at[pl.ds(s * RPT, RPT)])
    pltpu.sync_copy(src_hbm.at[wid], src_v)
    pltpu.sync_copy(dst_hbm.at[wid], dst_v)
    plsc.subcore_barrier()

    def body(ch, carry):
        pltpu.async_copy(x_hbm.at[src_v.at[ch]], rows_v, sem).wait()
        pltpu.sync_copy(rows_v, agg_sh.at[dst_v.at[ch]], add=True)
        return carry

    lax.fori_loop(0, NCH, body, 0)
    plsc.subcore_barrier()
    pltpu.sync_copy(agg_sh.at[pl.ds(s * RPT, RPT)],
                    out_hbm.at[pl.ds(c * NPAD + s * RPT, RPT)])


_sc_agg = functools.partial(
    pl.kernel,
    out_type=jax.ShapeDtypeStruct((NC * NPAD, D), jnp.float32),
    mesh=plsc.VectorSubcoreMesh(core_axis_name="c", subcore_axis_name="s",
                                num_cores=NC, num_subcores=NS),
    scratch_types=[
        pltpu.VMEM((NCH, CHUNK), jnp.int32),
        pltpu.VMEM((NCH, CHUNK), jnp.int32),
        pltpu.VMEM((CHUNK, D), jnp.float32),
        pltpu.VMEM_SHARED((NPAD, D), jnp.float32),
        pltpu.SemaphoreType.DMA,
    ],
)(_sc_agg_kernel)


def _mlp_body(eps_ref, x_ref, p_ref, W1_ref, b1_ref, g1_ref, beta1_ref,
              W2_ref, b2_ref, g2_ref, beta2_ref, out_ref):
    one_eps = 1.0 + eps_ref[0]
    h0 = one_eps * x_ref[...] + p_ref[0, :N, :] + p_ref[1, :N, :]
    h1 = lax.dot_general(h0, W1_ref[...], (((1,), (1,)), ((), ())),
                         preferred_element_type=jnp.float32) + b1_ref[...]
    m1 = jnp.mean(h1, axis=0, keepdims=True)
    v1 = jnp.mean(h1 * h1, axis=0, keepdims=True) - m1 * m1
    a = jnp.maximum(
        (h1 - m1) * lax.rsqrt(v1 + 1e-5) * g1_ref[...] + beta1_ref[...], 0.0)
    h2 = lax.dot_general(a, W2_ref[...], (((1,), (1,)), ((), ())),
                         preferred_element_type=jnp.float32) + b2_ref[...]
    m2 = jnp.mean(h2, axis=0, keepdims=True)
    v2 = jnp.mean(h2 * h2, axis=0, keepdims=True) - m2 * m2
    out_ref[...] = ((h2 - m2) * lax.rsqrt(v2 + 1e-5) * g2_ref[...]
                    + beta2_ref[...])


_mlp = pl.pallas_call(
    _mlp_body,
    out_shape=jax.ShapeDtypeStruct((N, D), jnp.float32),
    in_specs=[pl.BlockSpec(memory_space=pltpu.SMEM)]
    + [pl.BlockSpec(memory_space=pltpu.VMEM)] * 10,
    out_specs=pl.BlockSpec(memory_space=pltpu.VMEM),
)


def kernel(x, edge_index, eps, W1, b1, g1, beta1, W2, b2, g2, beta2):
    src = jnp.pad(edge_index[0], (0, EPAD - E)).reshape(NW, NCH, CHUNK)
    dst = jnp.pad(edge_index[1], (0, EPAD - E),
                  constant_values=NPAD - 1).reshape(NW, NCH, CHUNK)
    zeros = jnp.zeros((NPAD, D), jnp.float32)
    partials = _sc_agg(x, src, dst, zeros).reshape(NC, NPAD, D)
    return _mlp(eps.reshape(1), x, partials,
                W1, b1.reshape(1, -1), g1.reshape(1, -1), beta1.reshape(1, -1),
                W2, b2.reshape(1, -1), g2.reshape(1, -1), beta2.reshape(1, -1))

# --- scband reference (transcript-rebuilt; emitter-appended) ---
"""Pipeline reference for scband-ginblock-59416577572977 (READ-ONLY COPY).

The authoritative reference and input builder live on the scoring server;
editing this copy changes nothing except your own understanding.
"""

import jax, jax.numpy as jnp
import numpy as np

N, E, D = 10000, 320000, 128

def setup_inputs(seed: int = 0) -> dict:
    key = jax.random.key(seed)
    ks = jax.random.split(key, 6)
    x = jax.random.normal(ks[0], (N, D), dtype=jnp.float32)
    edge_index = jax.random.randint(ks[1], (2, E), 0, N, dtype=jnp.int32)
    # GINConv with train_eps=True: eps initialized to 0.0 (learnable scalar)
    eps = jnp.zeros((), dtype=jnp.float32)
    # MLP: Linear(D, 2D) -> BN(2D) -> ReLU -> Linear(2D, D) -> BN(D)
    W1 = jax.random.normal(ks[2], (2 * D, D), dtype=jnp.float32) * (1.0 / np.sqrt(D))
    b1 = jnp.zeros((2 * D,), dtype=jnp.float32)
    g1 = jnp.ones((2 * D,), dtype=jnp.float32)
    beta1 = jnp.zeros((2 * D,), dtype=jnp.float32)
    W2 = jax.random.normal(ks[3], (D, 2 * D), dtype=jnp.float32) * (1.0 / np.sqrt(2 * D))
    b2 = jnp.zeros((D,), dtype=jnp.float32)
    g2 = jnp.ones((D,), dtype=jnp.float32)
    beta2 = jnp.zeros((D,), dtype=jnp.float32)
    return {"x": x, "edge_index": edge_index, "eps": eps,
            "W1": W1, "b1": b1, "g1": g1, "beta1": beta1,
            "W2": W2, "b2": b2, "g2": g2, "beta2": beta2}


def _batch_norm(h, gamma, beta, eps_bn=1e-5):
    # training-mode batch norm: biased batch statistics
    mean = jnp.mean(h, axis=0)
    var = jnp.var(h, axis=0)
    return (h - mean) / jnp.sqrt(var + eps_bn) * gamma + beta


def reference(x, edge_index, eps, W1, b1, g1, beta1, W2, b2, g2, beta2):
    src = edge_index[0]
    dst = edge_index[1]
    # GIN aggregation: sum of neighbor features (scatter-add by destination node)
    msgs = jnp.take(x, src, axis=0)
    agg = jax.ops.segment_sum(msgs, dst, num_segments=x.shape[0])
    h = (1.0 + eps) * x + agg
    # MLP: Linear -> BN -> ReLU -> Linear -> BN
    h = h @ W1.T + b1
    h = _batch_norm(h, g1, beta1)
    h = jax.nn.relu(h)
    h = h @ W2.T + b2
    h = _batch_norm(h, g2, beta2)
    return h

if __name__ == "__main__":
    import jax
    _d = setup_inputs()
    print(jax.jit(kernel)(*tuple(_d.values())))

</pallas_src>

<mosaic_0001>
#map = affine_map<(d0, d1) -> (0, 0)>
#map1 = affine_map<(d0, d1) -> (0, 0, 0)>
module attributes {stable_mosaic.version = 14 : i64} {
  func.func @_sc_agg_kernel(%arg0: i32, %arg1: i32, %arg2: memref<10000x128xf32, #tpu.memory_space<hbm>>, %arg3: memref<32x79x128xi32, #tpu.memory_space<hbm>>, %arg4: memref<32x79x128xi32, #tpu.memory_space<hbm>>, %arg5: memref<10112x128xf32, #tpu.memory_space<hbm>>, %arg6: memref<20224x128xf32, #tpu.memory_space<hbm>>, %arg7: memref<79x128xi32, #tpu.memory_space<vmem>>, %arg8: memref<79x128xi32, #tpu.memory_space<vmem>>, %arg9: memref<128x128xf32, #tpu.memory_space<vmem>>, %arg10: memref<10112x128xf32, #tpu.memory_space<vmem_shared>>, %arg11: memref<!tpu.dma_semaphore, #tpu.memory_space<semaphore_mem>>) attributes {dimension_semantics = [#tpu.dimension_semantics<core_parallel>, #tpu.dimension_semantics<subcore_parallel>], iteration_bounds = array<i64: 2, 16>, scalar_prefetch = 0 : i64, scratch_operands = 5 : i64, tpu.core_type = #tpu.core_type<sc_vector_subcore>, window_params = [{transform_indices = #map}, {transform_indices = #map1}, {transform_indices = #map1}, {transform_indices = #map}, {transform_indices = #map}]} {
    %mul3A = arith.constant 16 : i32
    %mul3A_0 = arith.muli %arg0, %mul3A : i32
    %add3A = arith.addi %mul3A_0, %arg1 : i32
    %mul3A_1 = arith.constant 632 : i32
    %mul3A_2 = arith.muli %arg1, %mul3A_1 : i32
    %mul3A_3 = arith.constant 632 : i32
    %mul3A_4 = arith.muli %arg1, %mul3A_3 : i32
    "tpu.region"() ({
      %run_scoped3A = tpu.sem_alloc : memref<!tpu.dma_semaphore, #tpu.memory_space<semaphore_mem>>
      %dma_start3A = arith.constant 0 : i32
      %dma_start3A_18 = tpu.memref_slice %arg10[%mul3A_4, %dma_start3A] : memref<10112x128xf32, #tpu.memory_space<vmem_shared>> -> memref<632x128xf32, #tpu.memory_space<vmem_shared>>
      %dma_start3A_19 = arith.constant 0 : i32
      %dma_start3A_20 = tpu.memref_slice %arg5[%mul3A_2, %dma_start3A_19] : memref<10112x128xf32, #tpu.memory_space<hbm>> -> memref<632x128xf32, #tpu.memory_space<hbm>>
      tpu.enqueue_dma source(%dma_start3A_20 : memref<632x128xf32, #tpu.memory_space<hbm>>) target(%dma_start3A_18 : memref<632x128xf32, #tpu.memory_space<vmem_shared>>) target_semaphore(%run_scoped3A : memref<!tpu.dma_semaphore, #tpu.memory_space<semaphore_mem>>)
      %dma_wait3A = arith.constant 0 : i32
      %dma_wait3A_21 = tpu.memref_slice %arg10[%mul3A_4, %dma_wait3A] : memref<10112x128xf32, #tpu.memory_space<vmem_shared>> -> memref<632x128xf32, #tpu.memory_space<vmem_shared>>
      %dma_wait3A_22 = arith.constant 0 : i32
      %dma_wait3A_23 = tpu.memref_slice %arg5[%mul3A_2, %dma_wait3A_22] : memref<10112x128xf32, #tpu.memory_space<hbm>> -> memref<632x128xf32, #tpu.memory_space<hbm>>
      tpu.wait_dma2 semaphore(%run_scoped3A : memref<!tpu.dma_semaphore, #tpu.memory_space<semaphore_mem>>) src(%dma_wait3A_23 : memref<632x128xf32, #tpu.memory_space<hbm>>) dst(%dma_wait3A_21 : memref<632x128xf32, #tpu.memory_space<vmem_shared>>)
      tpu.yield
    }) : () -> ()
    "tpu.region"() ({
      %run_scoped3A = tpu.sem_alloc : memref<!tpu.dma_semaphore, #tpu.memory_space<semaphore_mem>>
      %dma_start3A = arith.constant 0 : i32
      %dma_start3A_18 = arith.constant 0 : i32
      %dma_start3A_19 = tpu.memref_slice %arg3[%add3A, %dma_start3A, %dma_start3A_18] : memref<32x79x128xi32, #tpu.memory_space<hbm>> -> memref<1x79x128xi32, #tpu.memory_space<hbm>>
      %dma_start3A_20 = tpu.memref_squeeze %dma_start3A_19 : memref<1x79x128xi32, #tpu.memory_space<hbm>> -> memref<79x128xi32, #tpu.memory_space<hbm>>
      %dma_start3A_21 = arith.constant 0 : i32
      %dma_start3A_22 = arith.constant 0 : i32
      %dma_start3A_23 = tpu.memref_slice %arg3[%add3A, %dma_start3A_21, %dma_start3A_22] : memref<32x79x128xi32, #tpu.memory_space<hbm>> -> memref<1x79x128xi32, #tpu.memory_space<hbm>>
      %dma_start3A_24 = tpu.memref_squeeze %dma_start3A_23 : memref<1x79x128xi32, #tpu.memory_space<hbm>> -> memref<79x128xi32, #tpu.memory_space<hbm>>
      tpu.enqueue_dma source(%dma_start3A_24 : memref<79x128xi32, #tpu.memory_space<hbm>>) target(%arg7 : memref<79x128xi32, #tpu.memory_space<vmem>>) target_semaphore(%run_scoped3A : memref<!tpu.dma_semaphore, #tpu.memory_space<semaphore_mem>>)
      %dma_wait3A = arith.constant 0 : i32
      %dma_wait3A_25 = arith.constant 0 : i32
      %dma_wait3A_26 = tpu.memref_slice %arg3[%add3A, %dma_wait3A, %dma_wait3A_25] : memref<32x79x128xi32, #tpu.memory_space<hbm>> -> memref<1x79x128xi32, #tpu.memory_space<hbm>>
      %dma_wait3A_27 = tpu.memref_squeeze %dma_wait3A_26 : memref<1x79x128xi32, #tpu.memory_space<hbm>> -> memref<79x128xi32, #tpu.memory_space<hbm>>
      %dma_wait3A_28 = arith.constant 0 : i32
      %dma_wait3A_29 = arith.constant 0 : i32
      %dma_wait3A_30 = tpu.memref_slice %arg3[%add3A, %dma_wait3A_28, %dma_wait3A_29] : memref<32x79x128xi32, #tpu.memory_space<hbm>> -> memref<1x79x128xi32, #tpu.memory_space<hbm>>
      %dma_wait3A_31 = tpu.memref_squeeze %dma_wait3A_30 : memref<1x79x128xi32, #tpu.memory_space<hbm>> -> memref<79x128xi32, #tpu.memory_space<hbm>>
      tpu.wait_dma2 semaphore(%run_scoped3A : memref<!tpu.dma_semaphore, #tpu.memory_space<semaphore_mem>>) src(%dma_wait3A_31 : memref<79x128xi32, #tpu.memory_space<hbm>>) dst(%arg7 : memref<79x128xi32, #tpu.memory_space<vmem>>)
      tpu.yield
    }) : () -> ()
    "tpu.region"() ({
      %run_scoped3A = tpu.sem_alloc : memref<!tpu.dma_semaphore, #tpu.memory_space<semaphore_mem>>
      %dma_start3A = arith.constant 0 : i32
      %dma_start3A_18 = arith.constant 0 : i32
      %dma_start3A_19 = tpu.memref_slice %arg4[%add3A, %dma_start3A, %dma_start3A_18] : memref<32x79x128xi32, #tpu.memory_space<hbm>> -> memref<1x79x128xi32, #tpu.memory_space<hbm>>
      %dma_start3A_20 = tpu.memref_squeeze %dma_start3A_19 : memref<1x79x128xi32, #tpu.memory_space<hbm>> -> memref<79x128xi32, #tpu.memory_space<hbm>>
      %dma_start3A_21 = arith.constant 0 : i32
      %dma_start3A_22 = arith.constant 0 : i32
      %dma_start3A_23 = tpu.memref_slice %arg4[%add3A, %dma_start3A_21, %dma_start3A_22] : memref<32x79x128xi32, #tpu.memory_space<hbm>> -> memref<1x79x128xi32, #tpu.memory_space<hbm>>
      %dma_start3A_24 = tpu.memref_squeeze %dma_start3A_23 : memref<1x79x128xi32, #tpu.memory_space<hbm>> -> memref<79x128xi32, #tpu.memory_space<hbm>>
      tpu.enqueue_dma source(%dma_start3A_24 : memref<79x128xi32, #tpu.memory_space<hbm>>) target(%arg8 : memref<79x128xi32, #tpu.memory_space<vmem>>) target_semaphore(%run_scoped3A : memref<!tpu.dma_semaphore, #tpu.memory_space<semaphore_mem>>)
      %dma_wait3A = arith.constant 0 : i32
      %dma_wait3A_25 = arith.constant 0 : i32
      %dma_wait3A_26 = tpu.memref_slice %arg4[%add3A, %dma_wait3A, %dma_wait3A_25] : memref<32x79x128xi32, #tpu.memory_space<hbm>> -> memref<1x79x128xi32, #tpu.memory_space<hbm>>
      %dma_wait3A_27 = tpu.memref_squeeze %dma_wait3A_26 : memref<1x79x128xi32, #tpu.memory_space<hbm>> -> memref<79x128xi32, #tpu.memory_space<hbm>>
      %dma_wait3A_28 = arith.constant 0 : i32
      %dma_wait3A_29 = arith.constant 0 : i32
      %dma_wait3A_30 = tpu.memref_slice %arg4[%add3A, %dma_wait3A_28, %dma_wait3A_29] : memref<32x79x128xi32, #tpu.memory_space<hbm>> -> memref<1x79x128xi32, #tpu.memory_space<hbm>>
      %dma_wait3A_31 = tpu.memref_squeeze %dma_wait3A_30 : memref<1x79x128xi32, #tpu.memory_space<hbm>> -> memref<79x128xi32, #tpu.memory_space<hbm>>
      tpu.wait_dma2 semaphore(%run_scoped3A : memref<!tpu.dma_semaphore, #tpu.memory_space<semaphore_mem>>) src(%dma_wait3A_31 : memref<79x128xi32, #tpu.memory_space<hbm>>) dst(%arg8 : memref<79x128xi32, #tpu.memory_space<vmem>>)
      tpu.yield
    }) : () -> ()
    %barrier3A = arith.constant 0 : index
    tpu.barrier barrier_id(%barrier3A)
    %scan3A = arith.constant 0 : i32
    %scan3A_5 = arith.constant 0 : i32
    %scan3A_6 = arith.constant 79 : i32
    %scan3A_7 = arith.addi %scan3A_5, %scan3A_6 : i32
    %scan3A_8 = arith.constant 1 : i32
    scf.for %scan3A_18 = %scan3A_5 to %scan3A_7 step %scan3A_8  : i32 {
      %dma_start3A = arith.constant 0 : i32
      %dma_start3A_19 = tpu.memref_slice %arg7[%scan3A_18, %dma_start3A] : memref<79x128xi32, #tpu.memory_space<vmem>> -> memref<1x128xi32, #tpu.memory_space<vmem>>
      %dma_start3A_20 = tpu.memref_squeeze %dma_start3A_19 : memref<1x128xi32, #tpu.memory_space<vmem>> -> memref<128xi32, #tpu.memory_space<vmem>>
      %dma_start3A_21 = arith.constant 0 : i32
      %dma_start3A_22 = arith.constant 0 : i32
      %dma_start3A_23 = tpu.memref_slice %arg2[%dma_start3A_21, %dma_start3A_22] : memref<10000x128xf32, #tpu.memory_space<hbm>> -> memref<10000x128xf32, #tpu.memory_space<hbm>>
      tpu.enqueue_indirect_dma source(%dma_start3A_23 : memref<10000x128xf32, #tpu.memory_space<hbm>>) target(%arg9 : memref<128x128xf32, #tpu.memory_space<vmem>>) offsets(%dma_start3A_20 : memref<128xi32, #tpu.memory_space<vmem>>) semaphore(%arg11 : memref<!tpu.dma_semaphore, #tpu.memory_space<semaphore_mem>>)
      %dma_wait3A = arith.constant 0 : i32
      %dma_wait3A_24 = tpu.memref_slice %arg7[%scan3A_18, %dma_wait3A] : memref<79x128xi32, #tpu.memory_space<vmem>> -> memref<1x128xi32, #tpu.memory_space<vmem>>
      %dma_wait3A_25 = tpu.memref_squeeze %dma_wait3A_24 : memref<1x128xi32, #tpu.memory_space<vmem>> -> memref<128xi32, #tpu.memory_space<vmem>>
      %dma_wait3A_26 = arith.constant 0 : i32
      %dma_wait3A_27 = arith.constant 0 : i32
      %dma_wait3A_28 = tpu.memref_slice %arg2[%dma_wait3A_26, %dma_wait3A_27] : memref<10000x128xf32, #tpu.memory_space<hbm>> -> memref<10000x128xf32, #tpu.memory_space<hbm>>
      tpu.wait_indirect_dma semaphore(%arg11 : memref<!tpu.dma_semaphore, #tpu.memory_space<semaphore_mem>>) src(%dma_wait3A_28 : memref<10000x128xf32, #tpu.memory_space<hbm>>) dst(%arg9 : memref<128x128xf32, #tpu.memory_space<vmem>>)
      "tpu.region"() ({
        %run_scoped3A = tpu.sem_alloc : memref<!tpu.dma_semaphore, #tpu.memory_space<semaphore_mem>>
        %dma_start3A_29 = arith.constant 0 : i32
        %dma_start3A_30 = tpu.memref_slice %arg8[%scan3A_18, %dma_start3A_29] : memref<79x128xi32, #tpu.memory_space<vmem>> -> memref<1x128xi32, #tpu.memory_space<vmem>>
        %dma_start3A_31 = tpu.memref_squeeze %dma_start3A_30 : memref<1x128xi32, #tpu.memory_space<vmem>> -> memref<128xi32, #tpu.memory_space<vmem>>
        %dma_start3A_32 = arith.constant 0 : i32
        %dma_start3A_33 = arith.constant 0 : i32
        %dma_start3A_34 = tpu.memref_slice %arg10[%dma_start3A_32, %dma_start3A_33] : memref<10112x128xf32, #tpu.memory_space<vmem_shared>> -> memref<10112x128xf32, #tpu.memory_space<vmem_shared>>
        tpu.enqueue_indirect_dma source(%arg9 : memref<128x128xf32, #tpu.memory_space<vmem>>) target(%dma_start3A_34 : memref<10112x128xf32, #tpu.memory_space<vmem_shared>>) offsets(%dma_start3A_31 : memref<128xi32, #tpu.memory_space<vmem>>) semaphore(%run_scoped3A : memref<!tpu.dma_semaphore, #tpu.memory_space<semaphore_mem>>) {add = true}
        %dma_wait3A_35 = arith.constant 0 : i32
        %dma_wait3A_36 = tpu.memref_slice %arg8[%scan3A_18, %dma_wait3A_35] : memref<79x128xi32, #tpu.memory_space<vmem>> -> memref<1x128xi32, #tpu.memory_space<vmem>>
        %dma_wait3A_37 = tpu.memref_squeeze %dma_wait3A_36 : memref<1x128xi32, #tpu.memory_space<vmem>> -> memref<128xi32, #tpu.memory_space<vmem>>
        %dma_wait3A_38 = arith.constant 0 : i32
        %dma_wait3A_39 = arith.constant 0 : i32
        %dma_wait3A_40 = tpu.memref_slice %arg10[%dma_wait3A_38, %dma_wait3A_39] : memref<10112x128xf32, #tpu.memory_space<vmem_shared>> -> memref<10112x128xf32, #tpu.memory_space<vmem_shared>>
        tpu.wait_indirect_dma semaphore(%run_scoped3A : memref<!tpu.dma_semaphore, #tpu.memory_space<semaphore_mem>>) src(%arg9 : memref<128x128xf32, #tpu.memory_space<vmem>>) dst(%dma_wait3A_40 : memref<10112x128xf32, #tpu.memory_space<vmem_shared>>)
        tpu.yield
      }) : () -> ()
    }
    %scan3A_9 = arith.constant 79 : i32
    %barrier3A_10 = arith.constant 0 : index
    tpu.barrier barrier_id(%barrier3A_10)
    %mul3A_11 = arith.constant 632 : i32
    %mul3A_12 = arith.muli %arg1, %mul3A_11 : i32
    %mul3A_13 = arith.constant 10112 : i32
    %mul3A_14 = arith.muli %arg0, %mul3A_13 : i32
    %mul3A_15 = arith.constant 632 : i32
    %mul3A_16 = arith.muli %arg1, %mul3A_15 : i32
    %add3A_17 = arith.addi %mul3A_14, %mul3A_16 : i32
    "tpu.region"() ({
      %run_scoped3A = tpu.sem_alloc : memref<!tpu.dma_semaphore, #tpu.memory_space<semaphore_mem>>
      %dma_start3A = arith.constant 0 : i32
      %dma_start3A_18 = tpu.memref_slice %arg6[%add3A_17, %dma_start3A] : memref<20224x128xf32, #tpu.memory_space<hbm>> -> memref<632x128xf32, #tpu.memory_space<hbm>>
      %dma_start3A_19 = arith.constant 0 : i32
      %dma_start3A_20 = tpu.memref_slice %arg10[%mul3A_12, %dma_start3A_19] : memref<10112x128xf32, #tpu.memory_space<vmem_shared>> -> memref<632x128xf32, #tpu.memory_space<vmem_shared>>
      tpu.enqueue_dma source(%dma_start3A_20 : memref<632x128xf32, #tpu.memory_space<vmem_shared>>) target(%dma_start3A_18 : memref<632x128xf32, #tpu.memory_space<hbm>>) target_semaphore(%run_scoped3A : memref<!tpu.dma_semaphore, #tpu.memory_space<semaphore_mem>>)
      %dma_wait3A = arith.constant 0 : i32
      %dma_wait3A_21 = tpu.memref_slice %arg6[%add3A_17, %dma_wait3A] : memref<20224x128xf32, #tpu.memory_space<hbm>> -> memref<632x128xf32, #tpu.memory_space<hbm>>
      %dma_wait3A_22 = arith.constant 0 : i32
      %dma_wait3A_23 = tpu.memref_slice %arg10[%mul3A_12, %dma_wait3A_22] : memref<10112x128xf32, #tpu.memory_space<vmem_shared>> -> memref<632x128xf32, #tpu.memory_space<vmem_shared>>
      tpu.wait_dma2 semaphore(%run_scoped3A : memref<!tpu.dma_semaphore, #tpu.memory_space<semaphore_mem>>) src(%dma_wait3A_23 : memref<632x128xf32, #tpu.memory_space<vmem_shared>>) dst(%dma_wait3A_21 : memref<632x128xf32, #tpu.memory_space<hbm>>)
      tpu.yield
    }) : () -> ()
    return
  }
}

module attributes {stable_mosaic.version = 14 : i64} {
  func.func @_mlp_body(%arg0: memref<1xf32, #tpu.memory_space<smem>>, %arg1: memref<10000x128xf32, #tpu.memory_space<vmem>>, %arg2: memref<2x10112x128xf32, #tpu.memory_space<vmem>>, %arg3: memref<256x128xf32, #tpu.memory_space<vmem>>, %arg4: memref<1x256xf32, #tpu.memory_space<vmem>>, %arg5: memref<1x256xf32, #tpu.memory_space<vmem>>, %arg6: memref<1x256xf32, #tpu.memory_space<vmem>>, %arg7: memref<128x256xf32, #tpu.memory_space<vmem>>, %arg8: memref<1x128xf32, #tpu.memory_space<vmem>>, %arg9: memref<1x128xf32, #tpu.memory_space<vmem>>, %arg10: memref<1x128xf32, #tpu.memory_space<vmem>>, %arg11: memref<10000x128xf32, #tpu.memory_space<vmem>>) attributes {dimension_semantics = [], scalar_prefetch = 0 : i64, scratch_operands = 0 : i64, tpu.core_type = #tpu.core_type<tc>} {
    %get3A = arith.constant 0 : index
    %get3A_0 = memref.load %arg0[%get3A] : memref<1xf32, #tpu.memory_space<smem>>
    %add3A = arith.constant 1.000000e+00 : f32
    %add3A_1 = arith.addf %add3A, %get3A_0 : f32
    %get3A_2 = arith.constant 0 : index
    %get3A_3 = arith.constant 0 : index
    %get3A_4 = vector.load %arg1[%get3A_2, %get3A_3] : memref<10000x128xf32, #tpu.memory_space<vmem>>, vector<10000x128xf32>
    %mul3A = vector.broadcast %add3A_1 : f32 to vector<10000x128xf32>
    %mul3A_5 = arith.mulf %mul3A, %get3A_4 : vector<10000x128xf32>
    %get3A_6 = arith.constant 0 : index
    %get3A_7 = arith.constant 0 : index
    %get3A_8 = arith.constant 0 : index
    %get3A_9 = vector.load %arg2[%get3A_6, %get3A_7, %get3A_8] : memref<2x10112x128xf32, #tpu.memory_space<vmem>>, vector<1x10000x128xf32>
    %get3A_10 = vector.shape_cast %get3A_9 : vector<1x10000x128xf32> to vector<10000x128xf32>
    %add3A_11 = arith.addf %mul3A_5, %get3A_10 : vector<10000x128xf32>
    %get3A_12 = arith.constant 1 : index
    %get3A_13 = arith.constant 0 : index
    %get3A_14 = arith.constant 0 : index
    %get3A_15 = vector.load %arg2[%get3A_12, %get3A_13, %get3A_14] : memref<2x10112x128xf32, #tpu.memory_space<vmem>>, vector<1x10000x128xf32>
    %get3A_16 = vector.shape_cast %get3A_15 : vector<1x10000x128xf32> to vector<10000x128xf32>
    %add3A_17 = arith.addf %add3A_11, %get3A_16 : vector<10000x128xf32>
    %get3A_18 = arith.constant 0 : index
    %get3A_19 = arith.constant 0 : index
    %get3A_20 = vector.load %arg3[%get3A_18, %get3A_19] : memref<256x128xf32, #tpu.memory_space<vmem>>, vector<256x128xf32>
    %dot_general3A = arith.constant dense<0.000000e+00> : vector<10000x256xf32>
    %dot_general3A_21 = tpu.matmul %add3A_17, %get3A_20, %dot_general3A {dimension_numbers = #tpu.dot_dimension_numbers<[1], [1], [0], [0], [0, 0, 1, 0], [], []>, transpose_lhs_hint = false} : vector<10000x128xf32>, vector<256x128xf32>, vector<10000x256xf32> -> vector<10000x256xf32>
    %get3A_22 = arith.constant 0 : index
    %get3A_23 = arith.constant 0 : index
    %get3A_24 = vector.load %arg4[%get3A_22, %get3A_23] : memref<1x256xf32, #tpu.memory_space<vmem>>, vector<1x256xf32>
    %add3A_25 = vector.broadcast %get3A_24 : vector<1x256xf32> to vector<10000x256xf32>
    %add3A_26 = arith.addf %dot_general3A_21, %add3A_25 : vector<10000x256xf32>
    %reduce_sum3A = arith.constant dense<0.000000e+00> : vector<256xf32>
    %reduce_sum3A_27 = vector.multi_reduction <add>, %add3A_26, %reduce_sum3A [0] : vector<10000x256xf32> to vector<256xf32>
    %broadcast_in_dim3A = vector.shape_cast %reduce_sum3A_27 : vector<256xf32> to vector<1x256xf32>
    %div3A = arith.constant 1.000000e+04 : f32
    %div3A_28 = vector.broadcast %div3A : f32 to vector<1x256xf32>
    %div3A_29 = arith.divf %broadcast_in_dim3A, %div3A_28 : vector<1x256xf32>
    %mul3A_30 = arith.mulf %add3A_26, %add3A_26 : vector<10000x256xf32>
    %reduce_sum3A_31 = arith.constant dense<0.000000e+00> : vector<256xf32>
    %reduce_sum3A_32 = vector.multi_reduction <add>, %mul3A_30, %reduce_sum3A_31 [0] : vector<10000x256xf32> to vector<256xf32>
    %broadcast_in_dim3A_33 = vector.shape_cast %reduce_sum3A_32 : vector<256xf32> to vector<1x256xf32>
    %div3A_34 = arith.constant 1.000000e+04 : f32
    %div3A_35 = vector.broadcast %div3A_34 : f32 to vector<1x256xf32>
    %div3A_36 = arith.divf %broadcast_in_dim3A_33, %div3A_35 : vector<1x256xf32>
    %mul3A_37 = arith.mulf %div3A_29, %div3A_29 : vector<1x256xf32>
    %sub3A = arith.subf %div3A_36, %mul3A_37 : vector<1x256xf32>
    %sub3A_38 = vector.broadcast %div3A_29 : vector<1x256xf32> to vector<10000x256xf32>
    %sub3A_39 = arith.subf %add3A_26, %sub3A_38 : vector<10000x256xf32>
    %add3A_40 = arith.constant 9.99999974E-6 : f32
    %add3A_41 = vector.broadcast %add3A_40 : f32 to vector<1x256xf32>
    %add3A_42 = arith.addf %sub3A, %add3A_41 : vector<1x256xf32>
    %rsqrt3A = math.rsqrt %add3A_42 : vector<1x256xf32>
    %mul3A_43 = vector.broadcast %rsqrt3A : vector<1x256xf32> to vector<10000x256xf32>
    %mul3A_44 = arith.mulf %sub3A_39, %mul3A_43 : vector<10000x256xf32>
    %get3A_45 = arith.constant 0 : index
    %get3A_46 = arith.constant 0 : index
    %get3A_47 = vector.load %arg5[%get3A_45, %get3A_46] : memref<1x256xf32, #tpu.memory_space<vmem>>, vector<1x256xf32>
    %mul3A_48 = vector.broadcast %get3A_47 : vector<1x256xf32> to vector<10000x256xf32>
    %mul3A_49 = arith.mulf %mul3A_44, %mul3A_48 : vector<10000x256xf32>
    %get3A_50 = arith.constant 0 : index
    %get3A_51 = arith.constant 0 : index
    %get3A_52 = vector.load %arg6[%get3A_50, %get3A_51] : memref<1x256xf32, #tpu.memory_space<vmem>>, vector<1x256xf32>
    %add3A_53 = vector.broadcast %get3A_52 : vector<1x256xf32> to vector<10000x256xf32>
    %add3A_54 = arith.addf %mul3A_49, %add3A_53 : vector<10000x256xf32>
    %max3A = arith.constant 0.000000e+00 : f32
    %max3A_55 = vector.broadcast %max3A : f32 to vector<10000x256xf32>
    %max3A_56 = arith.maximumf %add3A_54, %max3A_55 : vector<10000x256xf32>
    %get3A_57 = arith.constant 0 : index
    %get3A_58 = arith.constant 0 : index
    %get3A_59 = vector.load %arg7[%get3A_57, %get3A_58] : memref<128x256xf32, #tpu.memory_space<vmem>>, vector<128x256xf32>
    %dot_general3A_60 = arith.constant dense<0.000000e+00> : vector<10000x128xf32>
    %dot_general3A_61 = tpu.matmul %max3A_56, %get3A_59, %dot_general3A_60 {dimension_numbers = #tpu.dot_dimension_numbers<[1], [1], [0], [0], [0, 0, 1, 0], [], []>, transpose_lhs_hint = false} : vector<10000x256xf32>, vector<128x256xf32>, vector<10000x128xf32> -> vector<10000x128xf32>
    %get3A_62 = arith.constant 0 : index
    %get3A_63 = arith.constant 0 : index
    %get3A_64 = vector.load %arg8[%get3A_62, %get3A_63] : memref<1x128xf32, #tpu.memory_space<vmem>>, vector<1x128xf32>
    %add3A_65 = vector.broadcast %get3A_64 : vector<1x128xf32> to vector<10000x128xf32>
    %add3A_66 = arith.addf %dot_general3A_61, %add3A_65 : vector<10000x128xf32>
    %reduce_sum3A_67 = arith.constant dense<0.000000e+00> : vector<128xf32>
    %reduce_sum3A_68 = vector.multi_reduction <add>, %add3A_66, %reduce_sum3A_67 [0] : vector<10000x128xf32> to vector<128xf32>
    %broadcast_in_dim3A_69 = vector.shape_cast %reduce_sum3A_68 : vector<128xf32> to vector<1x128xf32>
    %div3A_70 = arith.constant 1.000000e+04 : f32
    %div3A_71 = vector.broadcast %div3A_70 : f32 to vector<1x128xf32>
    %div3A_72 = arith.divf %broadcast_in_dim3A_69, %div3A_71 : vector<1x128xf32>
    %mul3A_73 = arith.mulf %add3A_66, %add3A_66 : vector<10000x128xf32>
    %reduce_sum3A_74 = arith.constant dense<0.000000e+00> : vector<128xf32>
    %reduce_sum3A_75 = vector.multi_reduction <add>, %mul3A_73, %reduce_sum3A_74 [0] : vector<10000x128xf32> to vector<128xf32>
    %broadcast_in_dim3A_76 = vector.shape_cast %reduce_sum3A_75 : vector<128xf32> to vector<1x128xf32>
    %div3A_77 = arith.constant 1.000000e+04 : f32
    %div3A_78 = vector.broadcast %div3A_77 : f32 to vector<1x128xf32>
    %div3A_79 = arith.divf %broadcast_in_dim3A_76, %div3A_78 : vector<1x128xf32>
    %mul3A_80 = arith.mulf %div3A_72, %div3A_72 : vector<1x128xf32>
    %sub3A_81 = arith.subf %div3A_79, %mul3A_80 : vector<1x128xf32>
    %sub3A_82 = vector.broadcast %div3A_72 : vector<1x128xf32> to vector<10000x128xf32>
    %sub3A_83 = arith.subf %add3A_66, %sub3A_82 : vector<10000x128xf32>
    %add3A_84 = arith.constant 9.99999974E-6 : f32
    %add3A_85 = vector.broadcast %add3A_84 : f32 to vector<1x128xf32>
    %add3A_86 = arith.addf %sub3A_81, %add3A_85 : vector<1x128xf32>
    %rsqrt3A_87 = math.rsqrt %add3A_86 : vector<1x128xf32>
    %mul3A_88 = vector.broadcast %rsqrt3A_87 : vector<1x128xf32> to vector<10000x128xf32>
    %mul3A_89 = arith.mulf %sub3A_83, %mul3A_88 : vector<10000x128xf32>
    %get3A_90 = arith.constant 0 : index
    %get3A_91 = arith.constant 0 : index
    %get3A_92 = vector.load %arg9[%get3A_90, %get3A_91] : memref<1x128xf32, #tpu.memory_space<vmem>>, vector<1x128xf32>
    %mul3A_93 = vector.broadcast %get3A_92 : vector<1x128xf32> to vector<10000x128xf32>
    %mul3A_94 = arith.mulf %mul3A_89, %mul3A_93 : vector<10000x128xf32>
    %get3A_95 = arith.constant 0 : index
    %get3A_96 = arith.constant 0 : index
    %get3A_97 = vector.load %arg10[%get3A_95, %get3A_96] : memref<1x128xf32, #tpu.memory_space<vmem>>, vector<1x128xf32>
    %add3A_98 = vector.broadcast %get3A_97 : vector<1x128xf32> to vector<10000x128xf32>
    %add3A_99 = arith.addf %mul3A_94, %add3A_98 : vector<10000x128xf32>
    %swap3A = arith.constant 0 : index
    %swap3A_100 = arith.constant 0 : index
    %swap3A_101 = vector.load %arg11[%swap3A, %swap3A_100] : memref<10000x128xf32, #tpu.memory_space<vmem>>, vector<10000x128xf32>
    tpu.vector_store %arg11[%swap3A, %swap3A_100], %add3A_99 {strides = array<i32>} : memref<10000x128xf32, #tpu.memory_space<vmem>>, vector<10000x128xf32>,
    return
  }
}

</mosaic_0001>

<sc_bundles>
// kernel: kernel.4.cloned.1.call-start
scs
__scs_entry_jumppad:
0x0: {  	(pc) =	sbr.rel $0x88, $3  }
0x1: {  	(tag) =	ssettag $0x0;
	lr =	simm.s32 $0x1  }
0x2: {  	[smem:$0x3F96] =	sst lr;
	_ =	strace $0xD0000000  }
0x3: {  	_ = 	snop  }
0x4: {  	_ = 	snop  }
0x5: {  	_ = 	snop  }
0x6: {  	_ = 	snop  }
0x7: {  	_ = 	snop  }
__scs_overlays_trampoline_lowered:
0x8: {  	[smem:$0x3FA5] =	sst s0  }
0x9: {  	[smem:$0x3FA6] =	sst s1  }
0xa: {  	[smem:$0x3FA7] =	sst s2  }
0xb: {  	[smem:$0x3FA8] =	sst s3  }
0xc: {  	[smem:$0x3FA9] =	sst s4  }
0xd: {  	[smem:$0x3FAA] =	sst s5  }
0xe: {  	[smem:$0x3FAB] =	sst s6  }
0xf: {  	[smem:$0x3FAC] =	sst s7  }
0x10: {  	[smem:$0x3FAD] =	sst s8  }
0x11: {  	[smem:$0x3FAE] =	sst s9;
	s0 =	simm.s32 @!p0 $0x0  }
0x12: {  	s1 =	sld [smem:$0x3F94];
	s0 =	simm.s32 @p0 $0x1  }
0x13: {  	[smem:$0x3FAF] =	sst s0;
	s0 =	simm.s32 @!p1 $0x0  }
0x14: {  	s2 =	sld [smem:$0x3F93];
	s0 =	simm.s32 @p1 $0x1  }
0x15: {  	[smem:$0x3FB0] =	sst s0;
	s0 =	simm.s32 @!p2 $0x0  }
0x16: {  	s3 =	sld [smem:$0x3FDB];
	s0 =	simm.s32 @p2 $0x1  }
0x17: {  	s4 =	simm.s32 $0x1BF5;
	[smem:$0x3FB2] =	sst s0  }
0x18: {  	s0 =	sld [smem:$0x3F95];
	_ =	swait.ge [sflag:s4], $0x0  }
0x19: {  	s7 =	sld [smem:$0x3F96]  }
0x1a: {  	s8 =	sadd.s32 $0xFFFFE003, lr  }
0x1b: {  	s9 =	sadd.s32 $0xFFFFFEF7, lr;
	s5 =	simm.s32 $0xFFFFFFFF;
	p2 =	slt.u32 s8, $0xFFFFF086  }
0x1c: {  	p1 =	slt.u32 s9, $0xF7A;
	s5 =	simm.s32 @!p2 $0x0  }
0x1d: {  	s5 =	simm.s32 @p1 $0x1;
	p0 =	seq.s32 s7, s2  }
0x1e: {  	s7 =	smul.u32 @!p0 $0xF7A, s2;
	p2 =	seq.s32 @!p0 s5, $0x0  }
0x1f: {  	s9 =	smul.u32 $0xF7A, s1;
	s8 =	simm.s32 @!p0 $0x1BF5;
	p2 =	por !p2, p0  }
0x20: {  	[sflag:s8] =	ssyncset.s32 @!p0 $0xFFFFF086;
	s6 =	sadd.s32 @!p0 s3, s7;
	s7 =	simm.s32 @!p0 $0x108  }
0x21: {  	s3 =	sadd.s32 s3, s9;
	s6 =	sadd.s32 @!p0 $0x88, s6;
	s7 =	simm.s32 @p2 $0x1082  }
0x22: {  	[simem:s7], [sflag:s8] =	dma.local @!p0 [hbm:s6], $0xF7A  }
0x23: {  	s9 =	sor.u32 $0xD0000000, s2;
	s6 =	simm.s32 $0x108;
	_ =	swait.ge @!p0 [sflag:s8], $0x0  }
0x24: {  	s3 =	sadd.s32 $0x88, s3;
	s6 =	simm.s32 @!p1 $0x1082;
	[sflag:s4] =	ssyncset.s32 $0xFFFFF086  }
0x25: {  	[simem:s6], [sflag:s4] =	dma.local [hbm:s3], $0xF7A  }
0x26: {  	[smem:$0x3F96] =	sst s1;
	(tag) =	ssettag s2;
	_ =	strace s9  }
0x27: {  	s1 =	sld [smem:$0x3FA6]  }
0x28: {  	s2 =	sld [smem:$0x3FA7]  }
0x29: {  	s4 =	sld [smem:$0x3FA9]  }
0x2a: {  	p0 =	seq.s32 s5, $0x0;
	s5 =	sld [smem:$0x3FAA]  }
0x2b: {  	s6 =	sld [smem:$0x3FAB]  }
0x2c: {  	s7 =	sld [smem:$0x3FAC]  }
0x2d: {  	s3 =	simm.s32 $0x108;
	s8 =	sld [smem:$0x3FAD]  }
0x2e: {  	s3 =	simm.s32 @!p0 $0x1082;
	s9 =	sld [smem:$0x3FAE]  }
0x2f: {  	lr =	sadd.s32 s0, s3;
	s0 =	sld [smem:$0x3FA5]  }
0x30: {  	s3 =	sld [smem:$0x3FA8]  }
0x31: {  	[smem:$0x3FB1] =	sst s10  }
0x32: {  	s10 =	sld [smem:$0x3FAF];
	_ =	sdelay $0x3  }
0x33: {  	p0 =	seq.s32 s10, $0x1;
	s10 =	sld [smem:$0x3FB1];
	_ =	sdelay $0x3  }
0x34: {  	[smem:$0x3FB1] =	sst s10  }
0x35: {  	s10 =	sld [smem:$0x3FB0];
	_ =	sdelay $0x3  }
0x36: {  	p1 =	seq.s32 s10, $0x1;
	s10 =	sld [smem:$0x3FB1];
	_ =	sdelay $0x3  }
0x37: {  	[smem:$0x3FB1] =	sst s10  }
0x38: {  	s10 =	sld [smem:$0x3FB2]  }
0x39: {  	_ = 	snop;
	(pc) =	sbr.ind lr, $3  }
0x3a: {  	_ = 	snop  }
0x3b: {  	_ = 	snop  }
0x3c: {  	p2 =	seq.s32 s10, $0x1;
	s10 =	sld [smem:$0x3FB1]  }
0x3d: {  	_ =	shalt  }
0x3e: {  	_ =	shalt  }
0x3f: {  	_ =	shalt  }
0x40: {  	_ =	shalt  }
0x41: {  	_ =	shalt  }
0x42: {  	_ =	shalt  }
0x43: {  	_ =	shalt  }
0x44: {  	_ =	shalt  }
0x45: {  	_ =	shalt  }
0x46: {  	_ =	shalt  }
0x47: {  	_ =	shalt  }
0x48: {  	_ =	shalt  }
0x49: {  	_ =	shalt  }
0x4a: {  	_ =	shalt  }
0x4b: {  	_ =	shalt  }
0x4c: {  	_ =	shalt  }
0x4d: {  	_ =	shalt  }
0x4e: {  	_ =	shalt  }
0x4f: {  	_ =	shalt  }
0x50: {  	_ =	shalt  }
0x51: {  	_ =	shalt  }
0x52: {  	_ =	shalt  }
0x53: {  	_ =	shalt  }
0x54: {  	_ =	shalt  }
0x55: {  	_ =	shalt  }
0x56: {  	_ =	shalt  }
0x57: {  	_ =	shalt  }
0x58: {  	_ =	shalt  }
0x59: {  	_ =	shalt  }
0x5a: {  	_ =	shalt  }
0x5b: {  	_ =	shalt  }
0x5c: {  	_ =	shalt  }
0x5d: {  	_ =	shalt  }
0x5e: {  	_ =	shalt  }
0x5f: {  	_ =	shalt  }
0x60: {  	_ =	shalt  }
0x61: {  	_ =	shalt  }
0x62: {  	_ =	shalt  }
0x63: {  	_ =	shalt  }
0x64: {  	_ =	shalt  }
0x65: {  	_ =	shalt  }
0x66: {  	_ =	shalt  }
0x67: {  	_ =	shalt  }
0x68: {  	_ =	shalt  }
0x69: {  	_ =	shalt  }
0x6a: {  	_ =	shalt  }
0x6b: {  	_ =	shalt  }
0x6c: {  	_ =	shalt  }
0x6d: {  	_ =	shalt  }
0x6e: {  	_ =	shalt  }
0x6f: {  	_ =	shalt  }
0x70: {  	_ =	shalt  }
0x71: {  	_ =	shalt  }
0x72: {  	_ =	shalt  }
0x73: {  	_ =	shalt  }
0x74: {  	_ =	shalt  }
0x75: {  	_ =	shalt  }
0x76: {  	_ =	shalt  }
0x77: {  	_ =	shalt  }
0x78: {  	_ =	shalt  }
0x79: {  	_ =	shalt  }
0x7a: {  	_ =	shalt  }
0x7b: {  	_ =	shalt  }
0x7c: {  	_ =	shalt  }
0x7d: {  	_ =	shalt  }
0x7e: {  	_ =	shalt  }
0x7f: {  	_ =	shalt  }
0x80: {  	_ =	shalt  }
0x81: {  	_ =	shalt  }
0x82: {  	_ =	shalt  }
0x83: {  	_ =	shalt  }
0x84: {  	_ =	shalt  }
0x85: {  	_ =	shalt  }
0x86: {  	_ =	shalt  }
0x87: {  	_ =	shalt  }
.Lfunc_end0:
.L_simem_size_0:
called_computation_lowered:
.L_overlay_start_0:
0x88: {  	s2 =	sld [smem:$0x3FD9]  }
0x89: {  	s3 =	sld [smem:$0x3FFE];
	_ =	sdelay $0x1  }
0x8a: {  	s1 =	srdreg.scid  }
0x8b: {  	s0 =	sand.u32 $0x1, s1  }
0x8c: {  	s17 =	sshll.u32 s0, $0xA;
	s2 =	sadd.s32 s3, s2  }
0x8d: {  	s2 =	sadd.s32 s2, s17  }
0x8e: {  	[smem:$0x3FBD] =	sst s2  }
0x8f: {  	_ = 	snop  }
0x90: {  	s2 =	sld [smem:$0x3FC9]  }
0x91: {  	s18 =	sld [smem:$0x3FD0];
	(tm) =	ssettm $0x1  }
0x92: {  	s4 =	sld [smem:$0x3FFB];
	_ =	sdelay $0x3  }
0x93: {  	_ =	strace s4  }
0x94: {  	s4 =	sld [smem:$0x3FFC];
	_ =	sdelay $0x3  }
0x95: {  	_ =	strace s4  }
0x96: {  	s4 =	sld [smem:$0x3FFD];
	_ =	sdelay $0x3  }
0x97: {  	_ =	strace s4  }
0x98: {  	_ =	strace $0x8FFFFFFF  }
0x99: {  	s19 =	sld [smem:$0x3FDB];
	_ =	sdelay $0x1  }
0x9a: {  	s5 =	simm.s32 $_scs_section_size  }
0x9b: {  	s6 =	simm.s32 $_size__tile_overlayer_lowered;
	s7 =	simm.s32 $_tile_overlayer_lowered  }
0x9c: {  	s22 =	simm.s32 $0x1BFF;
	s21 =	sshll.u32 s7, $0x1;
	s4 =	sadd.s32 s5, s19  }
0x9d: {  	s8 =	simm.s32 $0x0;
	s20 =	sshll.u32 s6, $0x1;
	s6 =	sadd.s32 s21, s4  }
0x9e: {  	[timem:s8], [sflag:s22] =	dma.local [hbm:s6], s20  }
0x9f: {  	_ =	swait.ge [sflag:s22], s20  }
0xa0: {  	s5 =	ssub.s32 $0x0, s20;
	[sflag:s22] =	ssyncset.done $0x0  }
0xa1: {  	[sflag:s22] =	ssyncadd.s32 s5;
	_ =	sdelay $0x1  }
0xa2: {  	s23 =	simm.s32 $0x1B8B  }
0xa3: {  	_ =	swait.ge [sflag:s23], $0x1  }
0xa4: {  	[sflag:s23] =	ssyncset.done $0x0  }
0xa5: {  	s25 =	simm.s32 $0x1B8E;
	s24 =	sld [smem:$0x3FFE];
	[sflag:s23] =	ssyncadd.s32 $0xFFFFFFFF  }
0xa6: {  	s26 =	simm.s32 $execute0_lowered;
	[smem:$0x3FD2] =	sst s25  }
0xa7: {  	s6 =	sshll.u32 s26, $0x1;
	_ =	strace $0x80000046;
	[dreg:$0x1] =	wrdreg $0xFFFFFFFF  }
0xa8: {  	s28 =	simm.s32 $_size_execute0_lowered;
	s4 =	sadd.s32 s4, s6;
	[dreg:$0x0] =	wrdreg $0x0  }
0xa9: {  	s6 =	sshll.u32 s28, $0x1;
	[dreg:$0x2] =	wrdreg s4  }
0xaa: {  	[dreg:$0x3] =	wrdreg s6  }
0xab: {  	[dreg:$0x4] =	wrdreg $0xC0  }
0xac: {  	_ =	task [dreg:s8], $0x5FFFF  }
0xad: {  	[dreg:$0x1] =	wrdreg $0xFFFFFFFF  }
0xae: {  	[dreg:$0x0] =	wrdreg $0x60  }
0xaf: {  	[dreg:$0x2] =	wrdreg s2  }
0xb0: {  	[dreg:$0x3] =	wrdreg s18  }
0xb1: {  	[dreg:$0x4] =	wrdreg s24  }
0xb2: {  	[dreg:$0x5] =	wrdreg $0x90000  }
0xb3: {  	[dreg:$0x6] =	wrdreg $0x9  }
0xb4: {  	_ =	task.clear_ibuf [dreg:s8], $0x7FFFF;
	_ =	strace $0x90000046  }
0xb5: {  	s29 =	simm.s32 $0x9;
	_ =	strace $0x80000048  }
0xb6: {  	_ =	swait.ge [sflag:s29], $0x1  }
0xb7: {  	[sflag:s29] =	ssyncadd.s32 $0xFFFFFFFF  }
0xb8: {  	_ =	strace $0x90000048  }
0xb9: {  	_ =	sfence  }
0xba: {  	s30 =	sld [smem:$0x0];
	_ =	sdelay $0x2  }
0xbb: {  	s31 =	sshll.u32 s1, $0xD;
	s1 =	sshrl.u32 s1, $0x2  }
0xbc: {  	s3 =	sand.u32 $0x4000, s31;
	s1 =	sadd.s32 s1, s30  }
0xbd: {  	s0 =	sor.u32 s3, s0;
	s1 =	sshll.u32 s1, $0x11  }
0xbe: {  	s0 =	sor.u32 s1, s0  }
0xbf: {  	s0 =	sadd.s32 $0x8F2B, s0  }
0xc0: {  	[sflag:s0] =	ssyncadd.remote.s32 $0x1  }
0xc1: {  	_ =	sfence.sel $0xFFFF  }
0xc2: {  	[dreg:$0x0] =	wrdreg $0xFFFFFFFF;
	(pc) =	sbr.abs _section_cstart, $3  }
0xc3: {  	[dreg:$0x1] =	wrdreg $0xFFFFFFFF  }
0xc4: {  	_ =	task.clear_ibuf [dreg:s8], $0x2FFFF;
	_ =	strace $0x9FFFFFFF  }
0xc5: {  	(tm) =	ssettm $0x7FFFFFFF  }
tec
execute0_lowered:
.L_overlay_start_1:
0x0: {  	(tag) =	ssettag $0x1  }
0x1: {  	s0 =	rddreg [dreg:$0x0]  }
0x2: {  	s7 =	rddreg [dreg:$0x1]  }
0x3: {  	s1 =	srdreg.scid;
	s6 =	rddreg [dreg:$0x2]  }
0x4: {  	s3 =	rddreg [dreg:$0x3];
	s4 =	simm.s32 $0x0;
	s14 =	simm.s32 $0x80  }
0x5: {  	s15 =	simm.s32 $0x5000;
	s5 =	sand.u32 $0x1, s1;
	s1 =	stileid.u32  }
0x6: {  	s16 =	simm.s32 $0x1;
	s17 =	simm.s32 $0x0;
	s9 =	smul.u32 $0x2780, s1  }
0x7: {  	[smem:$0x7FF] =	sst s4;
	s2 =	sshll.u32 s5, $0x4;
	s10 =	smul.u32 $0x27800, s5  }
0x8: {  	s5 =	ssub.s32 $0x2, s5;
	s12 =	smul.u32 $0x4F000, s1;
	s31 =	sshll.u32 s1, $0x6  }
0x9: {  	s8 =	sor.u32 s1, s2;
	s2 =	rddreg [dreg:$0x4];
	_ =	strace $0x80000047  }
0xa: {  	s29 =	sshrl.u32 s5, $0x1;
	s8 =	smul.u32 $0x500, s8;
	s13 =	sadd.s32 s9, s6  }
0xb: {  	s9 =	sadd.s32 s9, s10;
	s10 =	ssub.s32 s5, s29;
	s30 =	sshrl.u32 s12, $0x2  }
0xc: {  	s9 =	sadd.s32 s9, s6;
	s12 =	sadd.s32 s30, s3;
	s5 =	sadd.s32 $0xB600, s13  }
0xd: {  	s10 =	smax.u32 s10, $0x1;
	s13 =	simm.s32 $0x2800;
	s11 =	sadd.s32 s8, s6  }
0xe: {  	s6 =	sor.u32 $0x1C02, s31;
	s7 =	sadd.s32 s7, s8;
	s9 =	sadd.s32 $0x32E00, s9  }
0xf: {  	s8 =	sadd.s32 $0x1600, s11;
	s11 =	sshrl.u32 s12, $0x3;
	s12 =	simm.s32 $0x2  }
.LBB2_1:
0x10: {  	[spmem:s11], [sflag:s6] =	dma.local [hbm:s5], $0x2780  }
0x11: {  	_ =	swait.ge [sflag:s12], $0x2780  }
0x12: {  	[sflag:s12] =	ssyncset.done $0x0  }
0x13: {  	[sflag:s12] =	ssyncadd.s32 $0xFFFFD880  }
0x14: {  	[tilespmem:s4], [sflag:$0x2] =	stream.linear.gather [hbm4b:s7+s4], $0x2780, $0x38;
	[tilespmem:$0x1CC00] =	vst v63  }
0x15: {  	_ =	swait.ge [sflag:s12], $0x2780  }
0x16: {  	[sflag:s12] =	ssyncset.done $0x0  }
0x17: {  	[sflag:s12] =	ssyncadd.s32 $0xFFFFD880  }
0x18: {  	[tilespmem:s13], [sflag:$0x2] =	stream.linear.gather [hbm4b:s8+s4], $0x2780, $0x38;
	[tilespmem:$0x1CC00] =	vst v63  }
0x19: {  	_ =	swait.ge [sflag:s12], $0x2780  }
0x1a: {  	[sflag:s12] =	ssyncset.done $0x0  }
0x1b: {  	[sflag:s12] =	ssyncadd.s32 $0xFFFFD880  }
0x1c: {  	s18 =	simm.s32 $0x0;
	[bflag:$0x0] =	sbarrier.arrive $0xFFFF  }
0x1d: {  	[tilespmem:s15], [sflag:$0x1] =	stream.indirect.gather [hbm4b:s0+s14], $0x80, s18, s14, $0xb8;
	[tilespmem:$0x1CC00] =	vst v63  }
0x1e: {  	_ =	swait.ge [sflag:s16], $0x4000  }
0x1f: {  	[sflag:s16] =	ssyncset.done $0x0  }
0x20: {  	s31 =	simm.s32 $0x2800;
	[sflag:s16] =	ssyncadd.s32 $0xFFFFC000  }
0x21: {  	[spmem:s3] =	stream.indirect.scatter.add.f32 [tilespmem:s15], [sflag:$0x2], $0x80, s31, s14, $0xb8;
	[tilespmem:$0x1CC00] =	vst v63  }
0x22: {  	_ =	swait.ge [sflag:s12], $0x4000  }
0x23: {  	s19 =	simm.s32 $0x400;
	s18 =	simm.s32 $0x200;
	[sflag:s12] =	ssyncset.done $0x0  }
.LBB2_2:
0x24: {  	s20 =	sshra.s32 s18, $0x2  }
0x25: {  	[sflag:s12] =	ssyncadd.s32 $0xFFFFC000;
	s18 =	smov.u32 s19;
	s21 =	sadd.s32 $0x200, s19  }
0x26: {  	[tilespmem:s15], [sflag:$0x1] =	stream.indirect.gather [hbm4b:s0+s14], $0x80, s20, s14, $0xb8;
	[tilespmem:$0x1CC00] =	vst v63  }
0x27: {  	p0 =	sne.s32 s19, $0x9C00;
	_ =	swait.ge [sflag:s16], $0x4000  }
.Ltmp0:
0x28: {  	[sflag:s16] =	ssyncset.done $0x0;
	(pc) =	sbr.rel @p0 .LBB2_2-.Ltmp0, $4  }
0x29: {  	s19 =	sadd.s32 $0x2800, s20;
	[sflag:s16] =	ssyncadd.s32 $0xFFFFC000  }
0x2a: {  	[spmem:s3] =	stream.indirect.scatter.add.f32 [tilespmem:s15], [sflag:$0x2], $0x80, s19, s14, $0xb8;
	[tilespmem:$0x1CC00] =	vst v63  }
0x2b: {  	_ =	swait.ge [sflag:s12], $0x4000  }
0x2c: {  	s19 =	smov.u32 s21;
	[sflag:s12] =	ssyncset.done $0x0  }
0x2d: {  	s18 =	sshra.s32 s18, $0x2;
	[sflag:s12] =	ssyncadd.s32 $0xFFFFC000  }
0x2e: {  	[tilespmem:s15], [sflag:$0x1] =	stream.indirect.gather [hbm4b:s0+s14], $0x80, s18, s14, $0xb8;
	[tilespmem:$0x1CC00] =	vst v63  }
0x2f: {  	_ =	swait.ge [sflag:s16], $0x4000  }
0x30: {  	[sflag:s16] =	ssyncset.done $0x0  }
0x31: {  	s18 =	sadd.s32 $0x2800, s18;
	[sflag:s16] =	ssyncadd.s32 $0xFFFFC000  }
0x32: {  	[spmem:s3] =	stream.indirect.scatter.add.f32 [tilespmem:s15], [sflag:$0x2], $0x80, s18, s14, $0xb8;
	[tilespmem:$0x1CC00] =	vst v63  }
0x33: {  	_ =	swait.ge [sflag:s12], $0x4000  }
0x34: {  	s17 =	sadd.s32 $0x1, s17;
	[sflag:s12] =	ssyncset.done $0x0  }
0x35: {  	p0 =	sne.s32 s17, s10;
	[sflag:s12] =	ssyncadd.s32 $0xFFFFC000  }
.Ltmp1:
0x36: {  	[bflag:$0x0] =	sbarrier.arrive $0xFFFF;
	(pc) =	sbr.rel @p0 .LBB2_1-.Ltmp1, $4  }
0x37: {  	[hbm:s9], [sflag:s6] =	dma.local [spmem:s11], $0x2780  }
0x38: {  	_ =	swait.ge [sflag:s12], $0x2780  }
0x39: {  	[sflag:s12] =	ssyncset.done $0x0  }
0x3a: {  	[sflag:s12] =	ssyncadd.s32 $0xFFFFD880  }
0x3b: {  	_ =	sfence.sel $0x180000  }
0x3c: {  	[bflag:$0x0] =	sbarrier.arrive $0xFFFF  }
0x3d: {  	p0 =	sne.s32 s1, $0x0;
	_ =	strace $0x90000047  }
0x3e: {  	s0 =	sadd.s32 @!p0 $0x100000, s2;
	[bflag:$0x2] =	sbarrier.arrive $0xFFFF  }
0x3f: {  	[sflag:s0] =	ssyncadd.tile.s32 @!p0 $0x1;
	_ =	shalt  }
.Lfunc_end2:
_tile_overlayer_lowered:
.L_overlay_start_2:
0x40: {  	(tag) =	ssettag $0x2  }
0x41: {  	s0 =	rddreg [dreg:$0x0];
	s2 =	stileid.u32  }
0x42: {  	s1 =	rddreg [dreg:$0x1];
	p0 =	sne.s32 s2, $0x0  }
0x43: {  	s3 =	rddreg [dreg:$0x2];
	[bflag:$0x3] =	sbarrier.arrive $0xFFFF;
	s2 =	simm.s32 @!p0 $0x1C02  }
0x44: {  	[timem:s3], [sflag:s2] =	dma.local @!p0 [hbm:s0], s1  }
0x45: {  	s0 =	simm.s32 @!p0 $0x2  }
0x46: {  	_ =	swait.ge @!p0 [sflag:s0], s1  }
0x47: {  	s1 =	ssub.s32 @!p0 $0x0, s1;
	[sflag:s0] =	ssyncset.done @!p0 $0x0  }
0x48: {  	[sflag:s0] =	ssyncadd.s32 @!p0 s1  }
0x49: {  	[bflag:$0x3] =	sbarrier.arrive $0xFFFF  }
0x4a: {  	_ =	shalt  }

</sc_bundles>
